<compile_context>
chip_gen: v7x
topology: tpu7x:2x2x1
jax: 0.10.2.dev20260603
libtpu: 0.0.44.dev20260713+nightly
codegen_flags: <defaults>
</compile_context>

<pallas_src>
import functools

import jax
import jax.numpy as jnp
from jax import lax
from jax.experimental import pallas as pl
from jax.experimental.pallas import tpu as pltpu
from jax.experimental.pallas import tpu_sc as plsc

_N = 512
_V = 100000
_L = 16
_NW = 16
_BW = _N // _NW


def _body(probs_hbm, tgt_hbm, dscr_hbm, mle_hbm,
          out_probs, out_loss, ex_hbm,
          tgt_v, fidx_v, rows_v, dscr_v, mle_v, contrib_v, all_v, loss_v,
          sem1, sem2, sem3, sem4):
    sid = lax.axis_index("s")
    base = sid * _BW

    c1 = pltpu.async_copy(tgt_hbm.at[pl.ds(base, _BW)], tgt_v, sem1)
    c2 = pltpu.async_copy(dscr_hbm.at[pl.ds(base, _BW)], dscr_v, sem2)
    c3 = pltpu.async_copy(mle_hbm.at[pl.ds(base, _BW)], mle_v, sem3)
    c1.wait()

    lane = lax.broadcasted_iota(jnp.int32, (_L,), 0)
    for j in range(_BW // _L):
        t = tgt_v[pl.ds(j * _L, _L)]
        fidx_v[pl.ds(j * _L, _L)] = t + (lane + base + j * _L) * _V

    pltpu.async_copy(probs_hbm.at[fidx_v], rows_v, sem4).wait()
    cout = pltpu.async_copy(rows_v, out_probs.at[pl.ds(base, _BW)], sem1)

    c2.wait()
    c3.wait()
    acc = jnp.zeros((_L,), jnp.float32)
    for j in range(_BW // _L):
        p = rows_v[pl.ds(j * _L, _L)]
        rw = dscr_v[pl.ds(j * _L, _L)] + 0.2 * mle_v[pl.ds(j * _L, _L)]
        acc = acc + p * rw
    contrib_v[...] = acc
    pltpu.sync_copy(contrib_v, ex_hbm.at[sid])
    cout.wait()
    plsc.subcore_barrier()

    @pl.when(sid == 0)
    def _():
        pltpu.sync_copy(ex_hbm, all_v)
        tot = all_v[0]
        for i in range(1, _NW):
            tot = tot + all_v[i]
        for k in (8, 4, 2, 1):
            tot = tot + jnp.take_along_axis(tot, lane ^ k, axis=0)
        loss_v[...] = -tot
        pltpu.sync_copy(loss_v, out_loss)


@jax.jit
def _policy_update(p_flat, targets, dscr, mle):
    call = functools.partial(
        pl.kernel,
        out_type=[
            jax.ShapeDtypeStruct((_N,), jnp.float32),
            jax.ShapeDtypeStruct((_L,), jnp.float32),
            jax.ShapeDtypeStruct((_NW, _L), jnp.float32),
        ],
        mesh=plsc.VectorSubcoreMesh(
            core_axis_name="c", subcore_axis_name="s", num_cores=1),
        scratch_types=[
            pltpu.VMEM((_BW,), jnp.int32),
            pltpu.VMEM((_BW,), jnp.int32),
            pltpu.VMEM((_BW,), jnp.float32),
            pltpu.VMEM((_BW,), jnp.float32),
            pltpu.VMEM((_BW,), jnp.float32),
            pltpu.VMEM((_L,), jnp.float32),
            pltpu.VMEM((_NW, _L), jnp.float32),
            pltpu.VMEM((_L,), jnp.float32),
            pltpu.SemaphoreType.DMA,
            pltpu.SemaphoreType.DMA,
            pltpu.SemaphoreType.DMA,
            pltpu.SemaphoreType.DMA,
        ],
    )(_body)
    return call(p_flat, targets, dscr, mle)


def kernel(probs, targets, dscr_rewards, mle_rewards):
    p_flat = probs.reshape((-1,))
    out_probs, out_loss, _ = _policy_update(p_flat, targets, dscr_rewards,
                                            mle_rewards)
    return (out_probs, out_loss[0])

# --- scband reference (transcript-rebuilt; emitter-appended) ---
"""Pipeline reference for scband-policy-update-17970143167387 (READ-ONLY COPY).

The authoritative reference and input builder live on the scoring server;
editing this copy changes nothing except your own understanding.
"""

import jax, jax.numpy as jnp
import numpy as np

REWARD_WEIGHTS = {'dscr': 1, 'mle': 0.2}


def setup_inputs(seed: int = 0) -> dict:
    key = jax.random.key(seed)
    k1, k2, k3, k4 = jax.random.split(key, 4)
    probs = jax.random.normal(k1, (16, 32, 100000), dtype=jnp.float32)
    targets = jax.random.randint(k2, (512,), 0, 100000, dtype=jnp.int64 if jax.config.jax_enable_x64 else jnp.int32).astype(jnp.int32)
    dscr_rewards = jax.random.normal(k3, (512,), dtype=jnp.float32)
    mle_rewards = jax.random.normal(k4, (512,), dtype=jnp.float32)
    return {"probs": probs, "targets": targets, "dscr_rewards": dscr_rewards, "mle_rewards": mle_rewards}


def reference(probs, targets, dscr_rewards, mle_rewards):
    vocab_size = probs.shape[-1]
    p = probs.reshape((-1, vocab_size))
    t = targets.reshape((-1,))
    # one-hot scatter + masked_select == gather of the target prob per row (row-major order)
    policy_probs = jnp.take_along_axis(p, t[:, None], axis=1)[:, 0]
    dscr = dscr_rewards.reshape((-1,))
    mle = mle_rewards.reshape((-1,))
    rewards = REWARD_WEIGHTS['dscr'] * dscr + REWARD_WEIGHTS['mle'] * mle
    loss = -jnp.dot(policy_probs, rewards)
    return (policy_probs, loss)

if __name__ == "__main__":
    import jax
    _d = setup_inputs()
    print(jax.jit(kernel)(*tuple(_d.values())))

</pallas_src>

<mosaic_0001>
#map = affine_map<(d0, d1) -> (0)>
#map1 = affine_map<(d0, d1) -> (0, 0)>
module attributes {stable_mosaic.version = 14 : i64} {
  func.func @_body(%arg0: i32, %arg1: i32, %arg2: memref<51200000xf32, #tpu.memory_space<hbm>>, %arg3: memref<512xi32, #tpu.memory_space<hbm>>, %arg4: memref<512xf32, #tpu.memory_space<hbm>>, %arg5: memref<512xf32, #tpu.memory_space<hbm>>, %arg6: memref<512xf32, #tpu.memory_space<hbm>>, %arg7: memref<16xf32, #tpu.memory_space<hbm>>, %arg8: memref<16x16xf32, #tpu.memory_space<hbm>>, %arg9: memref<32xi32, #tpu.memory_space<vmem>>, %arg10: memref<32xi32, #tpu.memory_space<vmem>>, %arg11: memref<32xf32, #tpu.memory_space<vmem>>, %arg12: memref<32xf32, #tpu.memory_space<vmem>>, %arg13: memref<32xf32, #tpu.memory_space<vmem>>, %arg14: memref<16xf32, #tpu.memory_space<vmem>>, %arg15: memref<16x16xf32, #tpu.memory_space<vmem>>, %arg16: memref<16xf32, #tpu.memory_space<vmem>>, %arg17: memref<!tpu.dma_semaphore, #tpu.memory_space<semaphore_mem>>, %arg18: memref<!tpu.dma_semaphore, #tpu.memory_space<semaphore_mem>>, %arg19: memref<!tpu.dma_semaphore, #tpu.memory_space<semaphore_mem>>, %arg20: memref<!tpu.dma_semaphore, #tpu.memory_space<semaphore_mem>>) attributes {dimension_semantics = [#tpu.dimension_semantics<core_parallel>, #tpu.dimension_semantics<subcore_parallel>], iteration_bounds = array<i64: 1, 16>, scalar_prefetch = 0 : i64, scratch_operands = 12 : i64, tpu.core_type = #tpu.core_type<sc_vector_subcore>, window_params = [{transform_indices = #map}, {transform_indices = #map}, {transform_indices = #map}, {transform_indices = #map}, {transform_indices = #map}, {transform_indices = #map}, {transform_indices = #map1}]} {
    %mul3A = arith.constant 32 : i32
    %mul3A_0 = arith.muli %arg1, %mul3A : i32
    %dma_start3A = tpu.memref_slice %arg3[%mul3A_0] : memref<512xi32, #tpu.memory_space<hbm>> -> memref<32xi32, #tpu.memory_space<hbm>>
    %dma_start3A_1 = tpu.memref_slice %arg3[%mul3A_0] : memref<512xi32, #tpu.memory_space<hbm>> -> memref<32xi32, #tpu.memory_space<hbm>>
    tpu.enqueue_dma source(%dma_start3A_1 : memref<32xi32, #tpu.memory_space<hbm>>) target(%arg9 : memref<32xi32, #tpu.memory_space<vmem>>) target_semaphore(%arg17 : memref<!tpu.dma_semaphore, #tpu.memory_space<semaphore_mem>>)
    %dma_start3A_2 = tpu.memref_slice %arg4[%mul3A_0] : memref<512xf32, #tpu.memory_space<hbm>> -> memref<32xf32, #tpu.memory_space<hbm>>
    %dma_start3A_3 = tpu.memref_slice %arg4[%mul3A_0] : memref<512xf32, #tpu.memory_space<hbm>> -> memref<32xf32, #tpu.memory_space<hbm>>
    tpu.enqueue_dma source(%dma_start3A_3 : memref<32xf32, #tpu.memory_space<hbm>>) target(%arg12 : memref<32xf32, #tpu.memory_space<vmem>>) target_semaphore(%arg18 : memref<!tpu.dma_semaphore, #tpu.memory_space<semaphore_mem>>)
    %dma_start3A_4 = tpu.memref_slice %arg5[%mul3A_0] : memref<512xf32, #tpu.memory_space<hbm>> -> memref<32xf32, #tpu.memory_space<hbm>>
    %dma_start3A_5 = tpu.memref_slice %arg5[%mul3A_0] : memref<512xf32, #tpu.memory_space<hbm>> -> memref<32xf32, #tpu.memory_space<hbm>>
    tpu.enqueue_dma source(%dma_start3A_5 : memref<32xf32, #tpu.memory_space<hbm>>) target(%arg13 : memref<32xf32, #tpu.memory_space<vmem>>) target_semaphore(%arg19 : memref<!tpu.dma_semaphore, #tpu.memory_space<semaphore_mem>>)
    %dma_wait3A = tpu.memref_slice %arg3[%mul3A_0] : memref<512xi32, #tpu.memory_space<hbm>> -> memref<32xi32, #tpu.memory_space<hbm>>
    %dma_wait3A_6 = tpu.memref_slice %arg3[%mul3A_0] : memref<512xi32, #tpu.memory_space<hbm>> -> memref<32xi32, #tpu.memory_space<hbm>>
    tpu.wait_dma2 semaphore(%arg17 : memref<!tpu.dma_semaphore, #tpu.memory_space<semaphore_mem>>) src(%dma_wait3A_6 : memref<32xi32, #tpu.memory_space<hbm>>) dst(%arg9 : memref<32xi32, #tpu.memory_space<vmem>>)
    %iota3A = tpu.iota {dimensions = array<i32: 0>} : vector<16xi32>
    %get3A = arith.constant 0 : index
    %get3A_7 = tpu.vector_load %arg9[%get3A] {strides = array<i32>} : memref<32xi32, #tpu.memory_space<vmem>>, vector<16xi32>,
    %get3A_8 = vector.shape_cast %get3A_7 : vector<16xi32> to vector<16xi32>
    %add3A = vector.broadcast %mul3A_0 : i32 to vector<16xi32>
    %add3A_9 = arith.addi %iota3A, %add3A : vector<16xi32>
    %add3A_10 = arith.constant 0 : i32
    %add3A_11 = vector.broadcast %add3A_10 : i32 to vector<16xi32>
    %add3A_12 = arith.addi %add3A_9, %add3A_11 : vector<16xi32>
    %mul3A_13 = arith.constant 100000 : i32
    %mul3A_14 = vector.broadcast %mul3A_13 : i32 to vector<16xi32>
    %mul3A_15 = arith.muli %add3A_12, %mul3A_14 : vector<16xi32>
    %add3A_16 = arith.addi %get3A_8, %mul3A_15 : vector<16xi32>
    %swap3A = arith.constant 0 : index
    %swap3A_17 = tpu.vector_load %arg10[%swap3A] {strides = array<i32>} : memref<32xi32, #tpu.memory_space<vmem>>, vector<16xi32>,
    %swap3A_18 = vector.shape_cast %swap3A_17 : vector<16xi32> to vector<16xi32>
    %swap3A_19 = vector.shape_cast %add3A_16 : vector<16xi32> to vector<16xi32>
    tpu.vector_store %arg10[%swap3A], %swap3A_19 {strides = array<i32>} : memref<32xi32, #tpu.memory_space<vmem>>, vector<16xi32>,
    %get3A_20 = arith.constant 16 : index
    %get3A_21 = tpu.vector_load %arg9[%get3A_20] {strides = array<i32>} : memref<32xi32, #tpu.memory_space<vmem>>, vector<16xi32>,
    %get3A_22 = vector.shape_cast %get3A_21 : vector<16xi32> to vector<16xi32>
    %add3A_23 = vector.broadcast %mul3A_0 : i32 to vector<16xi32>
    %add3A_24 = arith.addi %iota3A, %add3A_23 : vector<16xi32>
    %add3A_25 = arith.constant 16 : i32
    %add3A_26 = vector.broadcast %add3A_25 : i32 to vector<16xi32>
    %add3A_27 = arith.addi %add3A_24, %add3A_26 : vector<16xi32>
    %mul3A_28 = arith.constant 100000 : i32
    %mul3A_29 = vector.broadcast %mul3A_28 : i32 to vector<16xi32>
    %mul3A_30 = arith.muli %add3A_27, %mul3A_29 : vector<16xi32>
    %add3A_31 = arith.addi %get3A_22, %mul3A_30 : vector<16xi32>
    %swap3A_32 = arith.constant 16 : index
    %swap3A_33 = tpu.vector_load %arg10[%swap3A_32] {strides = array<i32>} : memref<32xi32, #tpu.memory_space<vmem>>, vector<16xi32>,
    %swap3A_34 = vector.shape_cast %swap3A_33 : vector<16xi32> to vector<16xi32>
    %swap3A_35 = vector.shape_cast %add3A_31 : vector<16xi32> to vector<16xi32>
    tpu.vector_store %arg10[%swap3A_32], %swap3A_35 {strides = array<i32>} : memref<32xi32, #tpu.memory_space<vmem>>, vector<16xi32>,
    %dma_start3A_36 = arith.constant 0 : i32
    %dma_start3A_37 = tpu.memref_slice %arg2[%dma_start3A_36] : memref<51200000xf32, #tpu.memory_space<hbm>> -> memref<51200000xf32, #tpu.memory_space<hbm>>
    tpu.enqueue_indirect_dma source(%dma_start3A_37 : memref<51200000xf32, #tpu.memory_space<hbm>>) target(%arg11 : memref<32xf32, #tpu.memory_space<vmem>>) offsets(%arg10 : memref<32xi32, #tpu.memory_space<vmem>>) semaphore(%arg20 : memref<!tpu.dma_semaphore, #tpu.memory_space<semaphore_mem>>)
    %dma_wait3A_38 = arith.constant 0 : i32
    %dma_wait3A_39 = tpu.memref_slice %arg2[%dma_wait3A_38] : memref<51200000xf32, #tpu.memory_space<hbm>> -> memref<51200000xf32, #tpu.memory_space<hbm>>
    tpu.wait_indirect_dma semaphore(%arg20 : memref<!tpu.dma_semaphore, #tpu.memory_space<semaphore_mem>>) src(%dma_wait3A_39 : memref<51200000xf32, #tpu.memory_space<hbm>>) dst(%arg11 : memref<32xf32, #tpu.memory_space<vmem>>)
    %dma_start3A_40 = tpu.memref_slice %arg6[%mul3A_0] : memref<512xf32, #tpu.memory_space<hbm>> -> memref<32xf32, #tpu.memory_space<hbm>>
    %dma_start3A_41 = tpu.memref_slice %arg6[%mul3A_0] : memref<512xf32, #tpu.memory_space<hbm>> -> memref<32xf32, #tpu.memory_space<hbm>>
    tpu.enqueue_dma source(%arg11 : memref<32xf32, #tpu.memory_space<vmem>>) target(%dma_start3A_41 : memref<32xf32, #tpu.memory_space<hbm>>) target_semaphore(%arg17 : memref<!tpu.dma_semaphore, #tpu.memory_space<semaphore_mem>>)
    %dma_wait3A_42 = tpu.memref_slice %arg4[%mul3A_0] : memref<512xf32, #tpu.memory_space<hbm>> -> memref<32xf32, #tpu.memory_space<hbm>>
    %dma_wait3A_43 = tpu.memref_slice %arg4[%mul3A_0] : memref<512xf32, #tpu.memory_space<hbm>> -> memref<32xf32, #tpu.memory_space<hbm>>
    tpu.wait_dma2 semaphore(%arg18 : memref<!tpu.dma_semaphore, #tpu.memory_space<semaphore_mem>>) src(%dma_wait3A_43 : memref<32xf32, #tpu.memory_space<hbm>>) dst(%arg12 : memref<32xf32, #tpu.memory_space<vmem>>)
    %dma_wait3A_44 = tpu.memref_slice %arg5[%mul3A_0] : memref<512xf32, #tpu.memory_space<hbm>> -> memref<32xf32, #tpu.memory_space<hbm>>
    %dma_wait3A_45 = tpu.memref_slice %arg5[%mul3A_0] : memref<512xf32, #tpu.memory_space<hbm>> -> memref<32xf32, #tpu.memory_space<hbm>>
    tpu.wait_dma2 semaphore(%arg19 : memref<!tpu.dma_semaphore, #tpu.memory_space<semaphore_mem>>) src(%dma_wait3A_45 : memref<32xf32, #tpu.memory_space<hbm>>) dst(%arg13 : memref<32xf32, #tpu.memory_space<vmem>>)
    %broadcast_in_dim3A = arith.constant 0.000000e+00 : f32
    %broadcast_in_dim3A_46 = vector.broadcast %broadcast_in_dim3A : f32 to vector<16xf32>
    %get3A_47 = arith.constant 0 : index
    %get3A_48 = tpu.vector_load %arg11[%get3A_47] {strides = array<i32>} : memref<32xf32, #tpu.memory_space<vmem>>, vector<16xf32>,
    %get3A_49 = vector.shape_cast %get3A_48 : vector<16xf32> to vector<16xf32>
    %get3A_50 = arith.constant 0 : index
    %get3A_51 = tpu.vector_load %arg12[%get3A_50] {strides = array<i32>} : memref<32xf32, #tpu.memory_space<vmem>>, vector<16xf32>,
    %get3A_52 = vector.shape_cast %get3A_51 : vector<16xf32> to vector<16xf32>
    %get3A_53 = arith.constant 0 : index
    %get3A_54 = tpu.vector_load %arg13[%get3A_53] {strides = array<i32>} : memref<32xf32, #tpu.memory_space<vmem>>, vector<16xf32>,
    %get3A_55 = vector.shape_cast %get3A_54 : vector<16xf32> to vector<16xf32>
    %mul3A_56 = arith.constant 2.000000e-01 : f32
    %mul3A_57 = vector.broadcast %mul3A_56 : f32 to vector<16xf32>
    %mul3A_58 = arith.mulf %mul3A_57, %get3A_55 : vector<16xf32>
    %add3A_59 = arith.addf %get3A_52, %mul3A_58 : vector<16xf32>
    %mul3A_60 = arith.mulf %get3A_49, %add3A_59 : vector<16xf32>
    %add3A_61 = arith.addf %broadcast_in_dim3A_46, %mul3A_60 : vector<16xf32>
    %get3A_62 = arith.constant 16 : index
    %get3A_63 = tpu.vector_load %arg11[%get3A_62] {strides = array<i32>} : memref<32xf32, #tpu.memory_space<vmem>>, vector<16xf32>,
    %get3A_64 = vector.shape_cast %get3A_63 : vector<16xf32> to vector<16xf32>
    %get3A_65 = arith.constant 16 : index
    %get3A_66 = tpu.vector_load %arg12[%get3A_65] {strides = array<i32>} : memref<32xf32, #tpu.memory_space<vmem>>, vector<16xf32>,
    %get3A_67 = vector.shape_cast %get3A_66 : vector<16xf32> to vector<16xf32>
    %get3A_68 = arith.constant 16 : index
    %get3A_69 = tpu.vector_load %arg13[%get3A_68] {strides = array<i32>} : memref<32xf32, #tpu.memory_space<vmem>>, vector<16xf32>,
    %get3A_70 = vector.shape_cast %get3A_69 : vector<16xf32> to vector<16xf32>
    %mul3A_71 = arith.constant 2.000000e-01 : f32
    %mul3A_72 = vector.broadcast %mul3A_71 : f32 to vector<16xf32>
    %mul3A_73 = arith.mulf %mul3A_72, %get3A_70 : vector<16xf32>
    %add3A_74 = arith.addf %get3A_67, %mul3A_73 : vector<16xf32>
    %mul3A_75 = arith.mulf %get3A_64, %add3A_74 : vector<16xf32>
    %add3A_76 = arith.addf %add3A_61, %mul3A_75 : vector<16xf32>
    %swap3A_77 = arith.constant 0 : index
    %swap3A_78 = tpu.vector_load %arg14[%swap3A_77] {strides = array<i32>} : memref<16xf32, #tpu.memory_space<vmem>>, vector<16xf32>,
    %swap3A_79 = vector.shape_cast %swap3A_78 : vector<16xf32> to vector<16xf32>
    %swap3A_80 = vector.shape_cast %add3A_76 : vector<16xf32> to vector<16xf32>
    tpu.vector_store %arg14[%swap3A_77], %swap3A_80 {strides = array<i32>} : memref<16xf32, #tpu.memory_space<vmem>>, vector<16xf32>,
    "tpu.region"() ({
      %run_scoped3A = tpu.sem_alloc : memref<!tpu.dma_semaphore, #tpu.memory_space<semaphore_mem>>
      %dma_start3A_85 = arith.constant 0 : i32
      %dma_start3A_86 = tpu.memref_slice %arg8[%arg1, %dma_start3A_85] : memref<16x16xf32, #tpu.memory_space<hbm>> -> memref<1x16xf32, #tpu.memory_space<hbm>>
      %dma_start3A_87 = tpu.memref_squeeze %dma_start3A_86 : memref<1x16xf32, #tpu.memory_space<hbm>> -> memref<16xf32, #tpu.memory_space<hbm>>
      %dma_start3A_88 = arith.constant 0 : i32
      %dma_start3A_89 = tpu.memref_slice %arg8[%arg1, %dma_start3A_88] : memref<16x16xf32, #tpu.memory_space<hbm>> -> memref<1x16xf32, #tpu.memory_space<hbm>>
      %dma_start3A_90 = tpu.memref_squeeze %dma_start3A_89 : memref<1x16xf32, #tpu.memory_space<hbm>> -> memref<16xf32, #tpu.memory_space<hbm>>
      tpu.enqueue_dma source(%arg14 : memref<16xf32, #tpu.memory_space<vmem>>) target(%dma_start3A_90 : memref<16xf32, #tpu.memory_space<hbm>>) target_semaphore(%run_scoped3A : memref<!tpu.dma_semaphore, #tpu.memory_space<semaphore_mem>>)
      %dma_wait3A_91 = arith.constant 0 : i32
      %dma_wait3A_92 = tpu.memref_slice %arg8[%arg1, %dma_wait3A_91] : memref<16x16xf32, #tpu.memory_space<hbm>> -> memref<1x16xf32, #tpu.memory_space<hbm>>
      %dma_wait3A_93 = tpu.memref_squeeze %dma_wait3A_92 : memref<1x16xf32, #tpu.memory_space<hbm>> -> memref<16xf32, #tpu.memory_space<hbm>>
      %dma_wait3A_94 = arith.constant 0 : i32
      %dma_wait3A_95 = tpu.memref_slice %arg8[%arg1, %dma_wait3A_94] : memref<16x16xf32, #tpu.memory_space<hbm>> -> memref<1x16xf32, #tpu.memory_space<hbm>>
      %dma_wait3A_96 = tpu.memref_squeeze %dma_wait3A_95 : memref<1x16xf32, #tpu.memory_space<hbm>> -> memref<16xf32, #tpu.memory_space<hbm>>
      tpu.wait_dma2 semaphore(%run_scoped3A : memref<!tpu.dma_semaphore, #tpu.memory_space<semaphore_mem>>) src(%arg14 : memref<16xf32, #tpu.memory_space<vmem>>) dst(%dma_wait3A_96 : memref<16xf32, #tpu.memory_space<hbm>>)
      tpu.yield
    }) : () -> ()
    %dma_wait3A_81 = tpu.memref_slice %arg6[%mul3A_0] : memref<512xf32, #tpu.memory_space<hbm>> -> memref<32xf32, #tpu.memory_space<hbm>>
    %dma_wait3A_82 = tpu.memref_slice %arg6[%mul3A_0] : memref<512xf32, #tpu.memory_space<hbm>> -> memref<32xf32, #tpu.memory_space<hbm>>
    tpu.wait_dma2 semaphore(%arg17 : memref<!tpu.dma_semaphore, #tpu.memory_space<semaphore_mem>>) src(%arg11 : memref<32xf32, #tpu.memory_space<vmem>>) dst(%dma_wait3A_82 : memref<32xf32, #tpu.memory_space<hbm>>)
    %barrier3A = arith.constant 0 : index
    tpu.barrier barrier_id(%barrier3A)
    %eq3A = arith.constant 0 : i32
    %eq3A_83 = arith.cmpi eq, %arg1, %eq3A : i32
    %convert_element_type3A = arith.extui %eq3A_83 : i1 to i32
    %cond3A = arith.constant 0 : i32
    %cond3A_84 = arith.cmpi ne, %convert_element_type3A, %cond3A : i32
    scf.if %cond3A_84 {
      "tpu.region"() ({
        %run_scoped3A = tpu.sem_alloc : memref<!tpu.dma_semaphore, #tpu.memory_space<semaphore_mem>>
        tpu.enqueue_dma source(%arg8 : memref<16x16xf32, #tpu.memory_space<hbm>>) target(%arg15 : memref<16x16xf32, #tpu.memory_space<vmem>>) target_semaphore(%run_scoped3A : memref<!tpu.dma_semaphore, #tpu.memory_space<semaphore_mem>>)
        tpu.wait_dma2 semaphore(%run_scoped3A : memref<!tpu.dma_semaphore, #tpu.memory_space<semaphore_mem>>) src(%arg8 : memref<16x16xf32, #tpu.memory_space<hbm>>) dst(%arg15 : memref<16x16xf32, #tpu.memory_space<vmem>>)
        tpu.yield
      }) : () -> ()
      %get3A_85 = arith.constant 0 : i32
      %get3A_86 = arith.index_cast %get3A_85 : i32 to index
      %get3A_87 = arith.constant 0 : index
      %get3A_88 = tpu.vector_load %arg15[%get3A_86, %get3A_87] {strides = array<i32>} : memref<16x16xf32, #tpu.memory_space<vmem>>, vector<1x16xf32>,
      %get3A_89 = vector.shape_cast %get3A_88 : vector<1x16xf32> to vector<16xf32>
      %get3A_90 = arith.constant 1 : i32
      %get3A_91 = arith.index_cast %get3A_90 : i32 to index
      %get3A_92 = arith.constant 0 : index
      %get3A_93 = tpu.vector_load %arg15[%get3A_91, %get3A_92] {strides = array<i32>} : memref<16x16xf32, #tpu.memory_space<vmem>>, vector<1x16xf32>,
      %get3A_94 = vector.shape_cast %get3A_93 : vector<1x16xf32> to vector<16xf32>
      %add3A_95 = arith.addf %get3A_89, %get3A_94 : vector<16xf32>
      %get3A_96 = arith.constant 2 : i32
      %get3A_97 = arith.index_cast %get3A_96 : i32 to index
      %get3A_98 = arith.constant 0 : index
      %get3A_99 = tpu.vector_load %arg15[%get3A_97, %get3A_98] {strides = array<i32>} : memref<16x16xf32, #tpu.memory_space<vmem>>, vector<1x16xf32>,
      %get3A_100 = vector.shape_cast %get3A_99 : vector<1x16xf32> to vector<16xf32>
      %add3A_101 = arith.addf %add3A_95, %get3A_100 : vector<16xf32>
      %get3A_102 = arith.constant 3 : i32
      %get3A_103 = arith.index_cast %get3A_102 : i32 to index
      %get3A_104 = arith.constant 0 : index
      %get3A_105 = tpu.vector_load %arg15[%get3A_103, %get3A_104] {strides = array<i32>} : memref<16x16xf32, #tpu.memory_space<vmem>>, vector<1x16xf32>,
      %get3A_106 = vector.shape_cast %get3A_105 : vector<1x16xf32> to vector<16xf32>
      %add3A_107 = arith.addf %add3A_101, %get3A_106 : vector<16xf32>
      %get3A_108 = arith.constant 4 : i32
      %get3A_109 = arith.index_cast %get3A_108 : i32 to index
      %get3A_110 = arith.constant 0 : index
      %get3A_111 = tpu.vector_load %arg15[%get3A_109, %get3A_110] {strides = array<i32>} : memref<16x16xf32, #tpu.memory_space<vmem>>, vector<1x16xf32>,
      %get3A_112 = vector.shape_cast %get3A_111 : vector<1x16xf32> to vector<16xf32>
      %add3A_113 = arith.addf %add3A_107, %get3A_112 : vector<16xf32>
      %get3A_114 = arith.constant 5 : i32
      %get3A_115 = arith.index_cast %get3A_114 : i32 to index
      %get3A_116 = arith.constant 0 : index
      %get3A_117 = tpu.vector_load %arg15[%get3A_115, %get3A_116] {strides = array<i32>} : memref<16x16xf32, #tpu.memory_space<vmem>>, vector<1x16xf32>,
      %get3A_118 = vector.shape_cast %get3A_117 : vector<1x16xf32> to vector<16xf32>
      %add3A_119 = arith.addf %add3A_113, %get3A_118 : vector<16xf32>
      %get3A_120 = arith.constant 6 : i32
      %get3A_121 = arith.index_cast %get3A_120 : i32 to index
      %get3A_122 = arith.constant 0 : index
      %get3A_123 = tpu.vector_load %arg15[%get3A_121, %get3A_122] {strides = array<i32>} : memref<16x16xf32, #tpu.memory_space<vmem>>, vector<1x16xf32>,
      %get3A_124 = vector.shape_cast %get3A_123 : vector<1x16xf32> to vector<16xf32>
      %add3A_125 = arith.addf %add3A_119, %get3A_124 : vector<16xf32>
      %get3A_126 = arith.constant 7 : i32
      %get3A_127 = arith.index_cast %get3A_126 : i32 to index
      %get3A_128 = arith.constant 0 : index
      %get3A_129 = tpu.vector_load %arg15[%get3A_127, %get3A_128] {strides = array<i32>} : memref<16x16xf32, #tpu.memory_space<vmem>>, vector<1x16xf32>,
      %get3A_130 = vector.shape_cast %get3A_129 : vector<1x16xf32> to vector<16xf32>
      %add3A_131 = arith.addf %add3A_125, %get3A_130 : vector<16xf32>
      %get3A_132 = arith.constant 8 : i32
      %get3A_133 = arith.index_cast %get3A_132 : i32 to index
      %get3A_134 = arith.constant 0 : index
      %get3A_135 = tpu.vector_load %arg15[%get3A_133, %get3A_134] {strides = array<i32>} : memref<16x16xf32, #tpu.memory_space<vmem>>, vector<1x16xf32>,
      %get3A_136 = vector.shape_cast %get3A_135 : vector<1x16xf32> to vector<16xf32>
      %add3A_137 = arith.addf %add3A_131, %get3A_136 : vector<16xf32>
      %get3A_138 = arith.constant 9 : i32
      %get3A_139 = arith.index_cast %get3A_138 : i32 to index
      %get3A_140 = arith.constant 0 : index
      %get3A_141 = tpu.vector_load %arg15[%get3A_139, %get3A_140] {strides = array<i32>} : memref<16x16xf32, #tpu.memory_space<vmem>>, vector<1x16xf32>,
      %get3A_142 = vector.shape_cast %get3A_141 : vector<1x16xf32> to vector<16xf32>
      %add3A_143 = arith.addf %add3A_137, %get3A_142 : vector<16xf32>
      %get3A_144 = arith.constant 10 : i32
      %get3A_145 = arith.index_cast %get3A_144 : i32 to index
      %get3A_146 = arith.constant 0 : index
      %get3A_147 = tpu.vector_load %arg15[%get3A_145, %get3A_146] {strides = array<i32>} : memref<16x16xf32, #tpu.memory_space<vmem>>, vector<1x16xf32>,
      %get3A_148 = vector.shape_cast %get3A_147 : vector<1x16xf32> to vector<16xf32>
      %add3A_149 = arith.addf %add3A_143, %get3A_148 : vector<16xf32>
      %get3A_150 = arith.constant 11 : i32
      %get3A_151 = arith.index_cast %get3A_150 : i32 to index
      %get3A_152 = arith.constant 0 : index
      %get3A_153 = tpu.vector_load %arg15[%get3A_151, %get3A_152] {strides = array<i32>} : memref<16x16xf32, #tpu.memory_space<vmem>>, vector<1x16xf32>,
      %get3A_154 = vector.shape_cast %get3A_153 : vector<1x16xf32> to vector<16xf32>
      %add3A_155 = arith.addf %add3A_149, %get3A_154 : vector<16xf32>
      %get3A_156 = arith.constant 12 : i32
      %get3A_157 = arith.index_cast %get3A_156 : i32 to index
      %get3A_158 = arith.constant 0 : index
      %get3A_159 = tpu.vector_load %arg15[%get3A_157, %get3A_158] {strides = array<i32>} : memref<16x16xf32, #tpu.memory_space<vmem>>, vector<1x16xf32>,
      %get3A_160 = vector.shape_cast %get3A_159 : vector<1x16xf32> to vector<16xf32>
      %add3A_161 = arith.addf %add3A_155, %get3A_160 : vector<16xf32>
      %get3A_162 = arith.constant 13 : i32
      %get3A_163 = arith.index_cast %get3A_162 : i32 to index
      %get3A_164 = arith.constant 0 : index
      %get3A_165 = tpu.vector_load %arg15[%get3A_163, %get3A_164] {strides = array<i32>} : memref<16x16xf32, #tpu.memory_space<vmem>>, vector<1x16xf32>,
      %get3A_166 = vector.shape_cast %get3A_165 : vector<1x16xf32> to vector<16xf32>
      %add3A_167 = arith.addf %add3A_161, %get3A_166 : vector<16xf32>
      %get3A_168 = arith.constant 14 : i32
      %get3A_169 = arith.index_cast %get3A_168 : i32 to index
      %get3A_170 = arith.constant 0 : index
      %get3A_171 = tpu.vector_load %arg15[%get3A_169, %get3A_170] {strides = array<i32>} : memref<16x16xf32, #tpu.memory_space<vmem>>, vector<1x16xf32>,
      %get3A_172 = vector.shape_cast %get3A_171 : vector<1x16xf32> to vector<16xf32>
      %add3A_173 = arith.addf %add3A_167, %get3A_172 : vector<16xf32>
      %get3A_174 = arith.constant 15 : i32
      %get3A_175 = arith.index_cast %get3A_174 : i32 to index
      %get3A_176 = arith.constant 0 : index
      %get3A_177 = tpu.vector_load %arg15[%get3A_175, %get3A_176] {strides = array<i32>} : memref<16x16xf32, #tpu.memory_space<vmem>>, vector<1x16xf32>,
      %get3A_178 = vector.shape_cast %get3A_177 : vector<1x16xf32> to vector<16xf32>
      %add3A_179 = arith.addf %add3A_173, %get3A_178 : vector<16xf32>
      %xor3A = arith.constant 8 : i32
      %xor3A_180 = vector.broadcast %xor3A : i32 to vector<16xi32>
      %xor3A_181 = arith.xori %iota3A, %xor3A_180 : vector<16xi32>
      %lt3A = arith.constant 0 : i32
      %lt3A_182 = vector.broadcast %lt3A : i32 to vector<16xi32>
      %lt3A_183 = arith.cmpi slt, %xor3A_181, %lt3A_182 : vector<16xi32>
      %add3A_184 = arith.constant 16 : i32
      %add3A_185 = vector.broadcast %add3A_184 : i32 to vector<16xi32>
      %add3A_186 = arith.addi %xor3A_181, %add3A_185 : vector<16xi32>
      %select_n3A = arith.select %lt3A_183, %add3A_186, %xor3A_181 : vector<16xi1>, vector<16xi32>
      %reshape3A = vector.shape_cast %select_n3A : vector<16xi32> to vector<16x1xi32>
      %gather3A = vector.shape_cast %reshape3A : vector<16x1xi32> to vector<16xi32>
      %gather3A_187 = tpu.dynamic_gather %add3A_179[%gather3A] in [0] : vector<16xf32>, vector<16xi32> -> vector<16xf32>
      %add3A_188 = arith.addf %add3A_179, %gather3A_187 : vector<16xf32>
      %xor3A_189 = arith.constant 4 : i32
      %xor3A_190 = vector.broadcast %xor3A_189 : i32 to vector<16xi32>
      %xor3A_191 = arith.xori %iota3A, %xor3A_190 : vector<16xi32>
      %lt3A_192 = arith.constant 0 : i32
      %lt3A_193 = vector.broadcast %lt3A_192 : i32 to vector<16xi32>
      %lt3A_194 = arith.cmpi slt, %xor3A_191, %lt3A_193 : vector<16xi32>
      %add3A_195 = arith.constant 16 : i32
      %add3A_196 = vector.broadcast %add3A_195 : i32 to vector<16xi32>
      %add3A_197 = arith.addi %xor3A_191, %add3A_196 : vector<16xi32>
      %select_n3A_198 = arith.select %lt3A_194, %add3A_197, %xor3A_191 : vector<16xi1>, vector<16xi32>
      %reshape3A_199 = vector.shape_cast %select_n3A_198 : vector<16xi32> to vector<16x1xi32>
      %gather3A_200 = vector.shape_cast %reshape3A_199 : vector<16x1xi32> to vector<16xi32>
      %gather3A_201 = tpu.dynamic_gather %add3A_188[%gather3A_200] in [0] : vector<16xf32>, vector<16xi32> -> vector<16xf32>
      %add3A_202 = arith.addf %add3A_188, %gather3A_201 : vector<16xf32>
      %xor3A_203 = arith.constant 2 : i32
      %xor3A_204 = vector.broadcast %xor3A_203 : i32 to vector<16xi32>
      %xor3A_205 = arith.xori %iota3A, %xor3A_204 : vector<16xi32>
      %lt3A_206 = arith.constant 0 : i32
      %lt3A_207 = vector.broadcast %lt3A_206 : i32 to vector<16xi32>
      %lt3A_208 = arith.cmpi slt, %xor3A_205, %lt3A_207 : vector<16xi32>
      %add3A_209 = arith.constant 16 : i32
      %add3A_210 = vector.broadcast %add3A_209 : i32 to vector<16xi32>
      %add3A_211 = arith.addi %xor3A_205, %add3A_210 : vector<16xi32>
      %select_n3A_212 = arith.select %lt3A_208, %add3A_211, %xor3A_205 : vector<16xi1>, vector<16xi32>
      %reshape3A_213 = vector.shape_cast %select_n3A_212 : vector<16xi32> to vector<16x1xi32>
      %gather3A_214 = vector.shape_cast %reshape3A_213 : vector<16x1xi32> to vector<16xi32>
      %gather3A_215 = tpu.dynamic_gather %add3A_202[%gather3A_214] in [0] : vector<16xf32>, vector<16xi32> -> vector<16xf32>
      %add3A_216 = arith.addf %add3A_202, %gather3A_215 : vector<16xf32>
      %xor3A_217 = arith.constant 1 : i32
      %xor3A_218 = vector.broadcast %xor3A_217 : i32 to vector<16xi32>
      %xor3A_219 = arith.xori %iota3A, %xor3A_218 : vector<16xi32>
      %lt3A_220 = arith.constant 0 : i32
      %lt3A_221 = vector.broadcast %lt3A_220 : i32 to vector<16xi32>
      %lt3A_222 = arith.cmpi slt, %xor3A_219, %lt3A_221 : vector<16xi32>
      %add3A_223 = arith.constant 16 : i32
      %add3A_224 = vector.broadcast %add3A_223 : i32 to vector<16xi32>
      %add3A_225 = arith.addi %xor3A_219, %add3A_224 : vector<16xi32>
      %select_n3A_226 = arith.select %lt3A_222, %add3A_225, %xor3A_219 : vector<16xi1>, vector<16xi32>
      %reshape3A_227 = vector.shape_cast %select_n3A_226 : vector<16xi32> to vector<16x1xi32>
      %gather3A_228 = vector.shape_cast %reshape3A_227 : vector<16x1xi32> to vector<16xi32>
      %gather3A_229 = tpu.dynamic_gather %add3A_216[%gather3A_228] in [0] : vector<16xf32>, vector<16xi32> -> vector<16xf32>
      %add3A_230 = arith.addf %add3A_216, %gather3A_229 : vector<16xf32>
      %neg3A = arith.constant 0.000000e+00 : f32
      %neg3A_231 = vector.broadcast %neg3A : f32 to vector<16xf32>
      %neg3A_232 = arith.subf %neg3A_231, %add3A_230 : vector<16xf32>
      %swap3A_233 = arith.constant 0 : index
      %swap3A_234 = tpu.vector_load %arg16[%swap3A_233] {strides = array<i32>} : memref<16xf32, #tpu.memory_space<vmem>>, vector<16xf32>,
      %swap3A_235 = vector.shape_cast %swap3A_234 : vector<16xf32> to vector<16xf32>
      %swap3A_236 = vector.shape_cast %neg3A_232 : vector<16xf32> to vector<16xf32>
      tpu.vector_store %arg16[%swap3A_233], %swap3A_236 {strides = array<i32>} : memref<16xf32, #tpu.memory_space<vmem>>, vector<16xf32>,
      "tpu.region"() ({
        %run_scoped3A = tpu.sem_alloc : memref<!tpu.dma_semaphore, #tpu.memory_space<semaphore_mem>>
        tpu.enqueue_dma source(%arg16 : memref<16xf32, #tpu.memory_space<vmem>>) target(%arg7 : memref<16xf32, #tpu.memory_space<hbm>>) target_semaphore(%run_scoped3A : memref<!tpu.dma_semaphore, #tpu.memory_space<semaphore_mem>>)
        tpu.wait_dma2 semaphore(%run_scoped3A : memref<!tpu.dma_semaphore, #tpu.memory_space<semaphore_mem>>) src(%arg16 : memref<16xf32, #tpu.memory_space<vmem>>) dst(%arg7 : memref<16xf32, #tpu.memory_space<hbm>>)
        tpu.yield
      }) : () -> ()
    } else {
    }
    return
  }
}

</mosaic_0001>

<sc_bundles>
// kernel: _policy_update.3.cloned.1.call-start
scs
__scs_entry_jumppad:
0x0: {  	(pc) =	sbr.rel $0x88, $3  }
0x1: {  	(tag) =	ssettag $0x0;
	lr =	simm.s32 $0x1  }
0x2: {  	[smem:$0x3F9D] =	sst lr;
	_ =	strace $0xD0000000  }
0x3: {  	_ = 	snop  }
0x4: {  	_ = 	snop  }
0x5: {  	_ = 	snop  }
0x6: {  	_ = 	snop  }
0x7: {  	_ = 	snop  }
__scs_overlays_trampoline_lowered:
0x8: {  	[smem:$0x3FAC] =	sst s0  }
0x9: {  	[smem:$0x3FAD] =	sst s1  }
0xa: {  	[smem:$0x3FAE] =	sst s2  }
0xb: {  	[smem:$0x3FAF] =	sst s3  }
0xc: {  	[smem:$0x3FB0] =	sst s4  }
0xd: {  	[smem:$0x3FB1] =	sst s5  }
0xe: {  	[smem:$0x3FB2] =	sst s6  }
0xf: {  	[smem:$0x3FB3] =	sst s7  }
0x10: {  	[smem:$0x3FB4] =	sst s8  }
0x11: {  	[smem:$0x3FB5] =	sst s9;
	s0 =	simm.s32 @!p0 $0x0  }
0x12: {  	s1 =	sld [smem:$0x3F9B];
	s0 =	simm.s32 @p0 $0x1  }
0x13: {  	[smem:$0x3FB6] =	sst s0;
	s0 =	simm.s32 @!p1 $0x0  }
0x14: {  	s2 =	sld [smem:$0x3F9A];
	s0 =	simm.s32 @p1 $0x1  }
0x15: {  	[smem:$0x3FB7] =	sst s0;
	s0 =	simm.s32 @!p2 $0x0  }
0x16: {  	s3 =	sld [smem:$0x3FDB];
	s0 =	simm.s32 @p2 $0x1  }
0x17: {  	s4 =	simm.s32 $0x1BF5;
	[smem:$0x3FB9] =	sst s0  }
0x18: {  	s0 =	sld [smem:$0x3F9C];
	_ =	swait.ge [sflag:s4], $0x0  }
0x19: {  	s7 =	sld [smem:$0x3F9D]  }
0x1a: {  	s8 =	sadd.s32 $0xFFFFE003, lr  }
0x1b: {  	s9 =	sadd.s32 $0xFFFFFEF7, lr;
	s5 =	simm.s32 $0xFFFFFFFF;
	p2 =	slt.u32 s8, $0xFFFFF086  }
0x1c: {  	p1 =	slt.u32 s9, $0xF7A;
	s5 =	simm.s32 @!p2 $0x0  }
0x1d: {  	s5 =	simm.s32 @p1 $0x1;
	p0 =	seq.s32 s7, s2  }
0x1e: {  	s7 =	smul.u32 @!p0 $0xF7A, s2;
	p2 =	seq.s32 @!p0 s5, $0x0  }
0x1f: {  	s9 =	smul.u32 $0xF7A, s1;
	s8 =	simm.s32 @!p0 $0x1BF5;
	p2 =	por !p2, p0  }
0x20: {  	[sflag:s8] =	ssyncset.s32 @!p0 $0xFFFFF086;
	s6 =	sadd.s32 @!p0 s3, s7;
	s7 =	simm.s32 @!p0 $0x108  }
0x21: {  	s3 =	sadd.s32 s3, s9;
	s6 =	sadd.s32 @!p0 $0x88, s6;
	s7 =	simm.s32 @p2 $0x1082  }
0x22: {  	[simem:s7], [sflag:s8] =	dma.local @!p0 [hbm:s6], $0xF7A  }
0x23: {  	s9 =	sor.u32 $0xD0000000, s2;
	s6 =	simm.s32 $0x108;
	_ =	swait.ge @!p0 [sflag:s8], $0x0  }
0x24: {  	s3 =	sadd.s32 $0x88, s3;
	s6 =	simm.s32 @!p1 $0x1082;
	[sflag:s4] =	ssyncset.s32 $0xFFFFF086  }
0x25: {  	[simem:s6], [sflag:s4] =	dma.local [hbm:s3], $0xF7A  }
0x26: {  	[smem:$0x3F9D] =	sst s1;
	(tag) =	ssettag s2;
	_ =	strace s9  }
0x27: {  	s1 =	sld [smem:$0x3FAD]  }
0x28: {  	s2 =	sld [smem:$0x3FAE]  }
0x29: {  	s4 =	sld [smem:$0x3FB0]  }
0x2a: {  	p0 =	seq.s32 s5, $0x0;
	s5 =	sld [smem:$0x3FB1]  }
0x2b: {  	s6 =	sld [smem:$0x3FB2]  }
0x2c: {  	s7 =	sld [smem:$0x3FB3]  }
0x2d: {  	s3 =	simm.s32 $0x108;
	s8 =	sld [smem:$0x3FB4]  }
0x2e: {  	s3 =	simm.s32 @!p0 $0x1082;
	s9 =	sld [smem:$0x3FB5]  }
0x2f: {  	lr =	sadd.s32 s0, s3;
	s0 =	sld [smem:$0x3FAC]  }
0x30: {  	s3 =	sld [smem:$0x3FAF]  }
0x31: {  	[smem:$0x3FB8] =	sst s10  }
0x32: {  	s10 =	sld [smem:$0x3FB6];
	_ =	sdelay $0x3  }
0x33: {  	p0 =	seq.s32 s10, $0x1;
	s10 =	sld [smem:$0x3FB8];
	_ =	sdelay $0x3  }
0x34: {  	[smem:$0x3FB8] =	sst s10  }
0x35: {  	s10 =	sld [smem:$0x3FB7];
	_ =	sdelay $0x3  }
0x36: {  	p1 =	seq.s32 s10, $0x1;
	s10 =	sld [smem:$0x3FB8];
	_ =	sdelay $0x3  }
0x37: {  	[smem:$0x3FB8] =	sst s10  }
0x38: {  	s10 =	sld [smem:$0x3FB9]  }
0x39: {  	_ = 	snop;
	(pc) =	sbr.ind lr, $3  }
0x3a: {  	_ = 	snop  }
0x3b: {  	_ = 	snop  }
0x3c: {  	p2 =	seq.s32 s10, $0x1;
	s10 =	sld [smem:$0x3FB8]  }
0x3d: {  	_ =	shalt  }
0x3e: {  	_ =	shalt  }
0x3f: {  	_ =	shalt  }
0x40: {  	_ =	shalt  }
0x41: {  	_ =	shalt  }
0x42: {  	_ =	shalt  }
0x43: {  	_ =	shalt  }
0x44: {  	_ =	shalt  }
0x45: {  	_ =	shalt  }
0x46: {  	_ =	shalt  }
0x47: {  	_ =	shalt  }
0x48: {  	_ =	shalt  }
0x49: {  	_ =	shalt  }
0x4a: {  	_ =	shalt  }
0x4b: {  	_ =	shalt  }
0x4c: {  	_ =	shalt  }
0x4d: {  	_ =	shalt  }
0x4e: {  	_ =	shalt  }
0x4f: {  	_ =	shalt  }
0x50: {  	_ =	shalt  }
0x51: {  	_ =	shalt  }
0x52: {  	_ =	shalt  }
0x53: {  	_ =	shalt  }
0x54: {  	_ =	shalt  }
0x55: {  	_ =	shalt  }
0x56: {  	_ =	shalt  }
0x57: {  	_ =	shalt  }
0x58: {  	_ =	shalt  }
0x59: {  	_ =	shalt  }
0x5a: {  	_ =	shalt  }
0x5b: {  	_ =	shalt  }
0x5c: {  	_ =	shalt  }
0x5d: {  	_ =	shalt  }
0x5e: {  	_ =	shalt  }
0x5f: {  	_ =	shalt  }
0x60: {  	_ =	shalt  }
0x61: {  	_ =	shalt  }
0x62: {  	_ =	shalt  }
0x63: {  	_ =	shalt  }
0x64: {  	_ =	shalt  }
0x65: {  	_ =	shalt  }
0x66: {  	_ =	shalt  }
0x67: {  	_ =	shalt  }
0x68: {  	_ =	shalt  }
0x69: {  	_ =	shalt  }
0x6a: {  	_ =	shalt  }
0x6b: {  	_ =	shalt  }
0x6c: {  	_ =	shalt  }
0x6d: {  	_ =	shalt  }
0x6e: {  	_ =	shalt  }
0x6f: {  	_ =	shalt  }
0x70: {  	_ =	shalt  }
0x71: {  	_ =	shalt  }
0x72: {  	_ =	shalt  }
0x73: {  	_ =	shalt  }
0x74: {  	_ =	shalt  }
0x75: {  	_ =	shalt  }
0x76: {  	_ =	shalt  }
0x77: {  	_ =	shalt  }
0x78: {  	_ =	shalt  }
0x79: {  	_ =	shalt  }
0x7a: {  	_ =	shalt  }
0x7b: {  	_ =	shalt  }
0x7c: {  	_ =	shalt  }
0x7d: {  	_ =	shalt  }
0x7e: {  	_ =	shalt  }
0x7f: {  	_ =	shalt  }
0x80: {  	_ =	shalt  }
0x81: {  	_ =	shalt  }
0x82: {  	_ =	shalt  }
0x83: {  	_ =	shalt  }
0x84: {  	_ =	shalt  }
0x85: {  	_ =	shalt  }
0x86: {  	_ =	shalt  }
0x87: {  	_ =	shalt  }
.Lfunc_end0:
.L_simem_size_0:
called_computation_lowered:
.L_overlay_start_0:
0x88: {  	s0 =	sld [smem:$0x3FD9]  }
0x89: {  	s1 =	sld [smem:$0x3FFE];
	_ =	sdelay $0x3  }
0x8a: {  	s0 =	sadd.s32 s1, s0  }
0x8b: {  	[smem:$0x3FC4] =	sst s0  }
0x8c: {  	_ = 	snop  }
0x8d: {  	s0 =	sld [smem:$0x3FC9]  }
0x8e: {  	s14 =	sld [smem:$0x3FD0]  }
0x8f: {  	s2 =	sld [smem:$0x3FC8]  }
0x90: {  	s3 =	sld [smem:$0x3FC7]  }
0x91: {  	s5 =	simm.s32 $0xA;
	s6 =	simm.s32 $0x10;
	s4 =	sld [smem:$0x3FC6]  }
0x92: {  	[smem:s6], [sflag:s5] =	dma.local [hbm:s14], $0x1  }
0x93: {  	_ =	swait.eq [sflag:s5], $0x1  }
0x94: {  	s15 =	sld [smem:$0x10];
	[sflag:s5] =	ssyncset.done $0x0  }
0x95: {  	s16 =	sld [smem:$0x11];
	[sflag:s5] =	ssyncadd.s32 $0xFFFFFFFF  }
0x96: {  	s17 =	sld [smem:$0x12];
	(tm) =	ssettm $0x1  }
0x97: {  	s7 =	sld [smem:$0x3FFB];
	_ =	sdelay $0x3  }
0x98: {  	_ =	strace s7  }
0x99: {  	s7 =	sld [smem:$0x3FFC];
	_ =	sdelay $0x3  }
0x9a: {  	_ =	strace s7  }
0x9b: {  	s7 =	sld [smem:$0x3FFD];
	_ =	sdelay $0x3  }
0x9c: {  	_ =	strace s7  }
0x9d: {  	_ =	strace $0x8FFFFFFF  }
0x9e: {  	s18 =	sld [smem:$0x3FDB];
	_ =	sdelay $0x1  }
0x9f: {  	s8 =	simm.s32 $_scs_section_size  }
0xa0: {  	s9 =	simm.s32 $_size__tile_overlayer_lowered;
	s10 =	simm.s32 $_tile_overlayer_lowered  }
0xa1: {  	s21 =	simm.s32 $0x1BFF;
	s20 =	sshll.u32 s10, $0x1;
	s7 =	sadd.s32 s8, s18  }
0xa2: {  	s11 =	simm.s32 $0x0;
	s19 =	sshll.u32 s9, $0x1;
	s9 =	sadd.s32 s20, s7  }
0xa3: {  	[timem:s11], [sflag:s21] =	dma.local [hbm:s9], s19  }
0xa4: {  	_ =	swait.ge [sflag:s21], s19  }
0xa5: {  	s8 =	ssub.s32 $0x0, s19;
	[sflag:s21] =	ssyncset.done $0x0  }
0xa6: {  	[sflag:s21] =	ssyncadd.s32 s8;
	_ =	sdelay $0x1  }
0xa7: {  	s22 =	simm.s32 $0x1B8B  }
0xa8: {  	_ =	swait.ge [sflag:s22], $0x1  }
0xa9: {  	[sflag:s22] =	ssyncset.done $0x0  }
0xaa: {  	s23 =	simm.s32 $0x1B8E;
	[sflag:s22] =	ssyncadd.s32 $0xFFFFFFFF  }
0xab: {  	s24 =	simm.s32 $execute0_lowered;
	[smem:$0x3FD2] =	sst s23  }
0xac: {  	s8 =	sshll.u32 s24, $0x1;
	_ =	strace $0x80000046;
	[dreg:$0x1] =	wrdreg $0xFFFFFFFF  }
0xad: {  	s25 =	simm.s32 $_size_execute0_lowered;
	s7 =	sadd.s32 s7, s8;
	[dreg:$0x0] =	wrdreg $0x0  }
0xae: {  	s8 =	sshll.u32 s25, $0x1;
	[dreg:$0x2] =	wrdreg s7  }
0xaf: {  	[dreg:$0x3] =	wrdreg s8  }
0xb0: {  	[dreg:$0x4] =	wrdreg $0xC0  }
0xb1: {  	_ =	task [dreg:s11], $0x5FFFF  }
0xb2: {  	[dreg:$0x1] =	wrdreg $0xFFFFFFFF  }
0xb3: {  	[dreg:$0x0] =	wrdreg $0x60  }
0xb4: {  	[dreg:$0x2] =	wrdreg s0  }
0xb5: {  	[dreg:$0x3] =	wrdreg s2  }
0xb6: {  	[dreg:$0x4] =	wrdreg s3  }
0xb7: {  	[dreg:$0x5] =	wrdreg s4  }
0xb8: {  	[dreg:$0x6] =	wrdreg s15  }
0xb9: {  	[dreg:$0x7] =	wrdreg s16  }
0xba: {  	[dreg:$0x8] =	wrdreg s17  }
0xbb: {  	[dreg:$0x9] =	wrdreg $0x9  }
0xbc: {  	_ =	task.clear_ibuf [dreg:s11], $0xAFFFF;
	_ =	strace $0x90000046  }
0xbd: {  	s26 =	simm.s32 $0x9;
	_ =	strace $0x80000048  }
0xbe: {  	_ =	swait.ge [sflag:s26], $0x1  }
0xbf: {  	[sflag:s26] =	ssyncadd.s32 $0xFFFFFFFF  }
0xc0: {  	_ =	strace $0x90000048  }
0xc1: {  	_ =	sfence  }
0xc2: {  	s28 =	sld [smem:$0x0];
	_ =	sdelay $0x1  }
0xc3: {  	s29 =	srdreg.scid  }
0xc4: {  	s30 =	sshll.u32 s29, $0xD;
	s31 =	sshrl.u32 s29, $0x2  }
0xc5: {  	s1 =	sand.u32 $0x1, s29;
	s2 =	sand.u32 $0x4000, s30;
	s0 =	sadd.s32 s31, s28  }
0xc6: {  	s1 =	sor.u32 s2, s1;
	s0 =	sshll.u32 s0, $0x11  }
0xc7: {  	s0 =	sor.u32 s0, s1  }
0xc8: {  	s0 =	sadd.s32 $0x8F2B, s0  }
0xc9: {  	[sflag:s0] =	ssyncadd.remote.s32 $0x1  }
0xca: {  	_ =	sfence.sel $0xFFFF  }
0xcb: {  	[dreg:$0x0] =	wrdreg $0xFFFFFFFF;
	(pc) =	sbr.abs _section_cstart, $3  }
0xcc: {  	[dreg:$0x1] =	wrdreg $0xFFFFFFFF  }
0xcd: {  	_ =	task.clear_ibuf [dreg:s11], $0x2FFFF;
	_ =	strace $0x9FFFFFFF  }
0xce: {  	(tm) =	ssettm $0x7FFFFFFF  }
0xcf: {  	_ =	shalt  }
tec
execute0_lowered:
.L_overlay_start_1:
0x0: {  	(tag) =	ssettag $0x1  }
0x1: {  	s3 =	rddreg [dreg:$0x0]  }
0x2: {  	s6 =	rddreg [dreg:$0x1]  }
0x3: {  	s7 =	rddreg [dreg:$0x2]  }
0x4: {  	s8 =	rddreg [dreg:$0x3]  }
0x5: {  	s9 =	rddreg [dreg:$0x4]  }
0x6: {  	s1 =	rddreg [dreg:$0x5]  }
0x7: {  	s4 =	rddreg [dreg:$0x6];
	s2 =	simm.s32 $0x0;
	s5 =	stileid.u32  }
0x8: {  	[smem:$0x7FF] =	sst s2;
	s10 =	sshll.u32 s5, $0x2  }
0x9: {  	s0 =	rddreg [dreg:$0x7];
	_ =	strace $0x80000047;
	s6 =	sadd.s32 s6, s10  }
0xa: {  	[tilespmem:s2], [sflag:$0x1] =	stream.linear.gather [hbm4b:s6+s2], $0x20, $0x38;
	[tilespmem:$0xB80] =	vst v63  }
0xb: {  	s18 =	simm.s32 $0x180;
	s17 =	sadd.s32 s7, s10  }
0xc: {  	[tilespmem:s18], [sflag:$0x2] =	stream.linear.gather [hbm4b:s17+s2], $0x20, $0x38;
	[tilespmem:$0xB80] =	vst v63  }
0xd: {  	s20 =	simm.s32 $0x200;
	s21 =	simm.s32 $0x1;
	s19 =	sadd.s32 s8, s10  }
0xe: {  	[tilespmem:s20], [sflag:$0x3] =	stream.linear.gather [hbm4b:s19+s2], $0x20, $0x38;
	[tilespmem:$0xB80] =	vst v63  }
0xf: {  	_ =	swait.ge [sflag:s21], $0x20  }
0x10: {  	[sflag:s21] =	ssyncset.done $0x0  }
0x11: {  	s22 =	sshll.u32 s5, $0x5;
	[sflag:s21] =	ssyncadd.s32 $0xFFFFFFE0  }
0x12: {  	v0 =	vmov s22;
	v1 =	vld [tilespmem:$0x0]  }
0x13: {  	v0 =	vmul.u32 $0x186A0, v0;
	v2 =	vld [tilespmem:$0x10];
	_ =	sdelay $0x1  }
0x14: {  	v3 =	vlaneseq.u32;
	v0 =	vbroadcast v0, $0x0  }
0x15: {  	v3 =	vmul.u32 $0x186A0, v3  }
0x16: {  	v1 =	vadd.s32 v1, v0  }
0x17: {  	v58 =	vadd.s32 $0x186A00, v3;
	v0 =	vadd.s32 v2, v0;
	v1 =	vadd.s32 v3, v1  }
0x18: {  	s23 =	simm.s32 $0x20;
	v0 =	vadd.s32 v58, v0;
	[tilespmem:$0x80] =	vst v1  }
0x19: {  	s24 =	simm.s32 $0x80;
	s11 =	simm.s32 $0x100;
	s25 =	simm.s32 $0x4;
	[tilespmem:$0x90] =	vst v0  }
0x1a: {  	[tilespmem:s11], [sflag:$0x4] =	stream.indirect.gather [hbm4b:s3+s23], $0x1, s24, s23, $0xb8;
	[tilespmem:$0xB80] =	vst v63  }
0x1b: {  	_ =	swait.ge [sflag:s25], $0x20  }
0x1c: {  	[sflag:s25] =	ssyncset.done $0x0  }
0x1d: {  	s28 =	simm.s32 $0x2;
	s26 =	sadd.s32 s9, s10;
	[sflag:s25] =	ssyncadd.s32 $0xFFFFFFE0  }
0x1e: {  	[hbm4b:s26+s2] =	stream.linear.scatter [tilespmem:s11], [sflag:$0x1], $0x20, $0x38;
	[tilespmem:$0xB80] =	vst v63  }
0x1f: {  	_ =	swait.ge [sflag:s28], $0x20  }
0x20: {  	[sflag:s28] =	ssyncset.done $0x0  }
0x21: {  	s29 =	simm.s32 $0x3;
	[sflag:s28] =	ssyncadd.s32 $0xFFFFFFE0  }
0x22: {  	_ =	swait.ge [sflag:s29], $0x20  }
0x23: {  	[sflag:s29] =	ssyncset.done $0x0  }
0x24: {  	[sflag:s29] =	ssyncadd.s32 $0xFFFFFFE0  }
0x25: {  	v59 =	vld [tilespmem:$0x200]  }
0x26: {  	v60 =	vld [tilespmem:$0x180]  }
0x27: {  	v61 =	vld [tilespmem:$0x210]  }
0x28: {  	v62 =	vld [tilespmem:$0x100]  }
0x29: {  	v4 =	vld [tilespmem:$0x190]  }
0x2a: {  	v0 =	vmul.f32 $2.000000030e-01, v59  }
0x2b: {  	v5 =	vld [tilespmem:$0x110]  }
0x2c: {  	v63 =	vmul.f32 $2.000000030e-01, v61;
	v0 =	vadd.f32 v0, v60;
	_ =	sdelay $0x1  }
0x2d: {  	v1 =	vadd.f32 v63, v4;
	v0 =	vmul.f32 v0, v62;
	_ =	sdelay $0x1  }
0x2e: {  	v1 =	vmul.f32 v1, v5;
	v0 =	vadd.f32 $0.0e+00, v0;
	_ =	sdelay $0x1  }
0x2f: {  	v0 =	vadd.f32 v1, v0  }
0x30: {  	s30 =	sshll.u32 s5, $0x4  }
0x31: {  	s31 =	simm.s32 $0x280;
	s3 =	sadd.s32 s4, s30;
	[tilespmem:$0x280] =	vst v0  }
0x32: {  	[hbm4b:s3+s2] =	stream.linear.scatter [tilespmem:s31], [sflag:$0x5], $0x80, $0x38;
	[tilespmem:$0xB80] =	vst v63  }
0x33: {  	s3 =	simm.s32 $0x5  }
0x34: {  	_ =	swait.ge [sflag:s3], $0x80  }
0x35: {  	[sflag:s3] =	ssyncset.done $0x0  }
0x36: {  	[sflag:s3] =	ssyncadd.s32 $0xFFFFFF80  }
0x37: {  	_ =	swait.ge [sflag:s21], $0x20  }
0x38: {  	[sflag:s21] =	ssyncset.done $0x0  }
0x39: {  	[sflag:s21] =	ssyncadd.s32 $0xFFFFFFE0  }
0x3a: {  	p0 =	sne.s32 s5, $0x0;
	[bflag:$0x0] =	sbarrier.arrive $0xFFFF  }
0x3b: {  	_ =	sfence.sel @p0 $0x180000  }
0x3c: {  	[bflag:$0x0] =	sbarrier.arrive @p0 $0xFFFF  }
0x3d: {  	_ =	strace @p0 $0x90000047  }
0x3e: {  	[bflag:$0x2] =	sbarrier.arrive @p0 $0xFFFF  }
0x3f: {  	_ =	shalt @p0  }
.LBB2_1:
0x40: {  	s5 =	simm.s32 $0x300  }
0x41: {  	[tilespmem:s5], [sflag:$0x5] =	stream.linear.gather [hbm4b:s4+s2], $0x800, $0x38;
	[tilespmem:$0xB80] =	vst v63  }
0x42: {  	_ =	swait.ge [sflag:s3], $0x800  }
0x43: {  	[sflag:s3] =	ssyncset.done $0x0  }
0x44: {  	[sflag:s3] =	ssyncadd.s32 $0xFFFFF800  }
0x45: {  	v0 =	vld [tilespmem:$0x300]  }
0x46: {  	v1 =	vld [tilespmem:$0x380];
	_ =	sdelay $0x1  }
0x47: {  	v2 =	vld [tilespmem:$0x400];
	_ =	sdelay $0x1  }
0x48: {  	v3 =	vld [tilespmem:$0x480]  }
0x49: {  	v0 =	vadd.f32 v1, v0  }
0x4a: {  	v42 =	vld [tilespmem:$0x500]  }
0x4b: {  	v0 =	vadd.f32 v2, v0  }
0x4c: {  	v43 =	vld [tilespmem:$0x580]  }
0x4d: {  	v0 =	vadd.f32 v3, v0  }
0x4e: {  	v44 =	vld [tilespmem:$0x600]  }
0x4f: {  	v0 =	vadd.f32 v42, v0  }
0x50: {  	v45 =	vld [tilespmem:$0x680]  }
0x51: {  	v0 =	vadd.f32 v43, v0  }
0x52: {  	v46 =	vld [tilespmem:$0x700]  }
0x53: {  	v0 =	vadd.f32 v44, v0  }
0x54: {  	v47 =	vld [tilespmem:$0x780]  }
0x55: {  	v0 =	vadd.f32 v45, v0  }
0x56: {  	v48 =	vld [tilespmem:$0x800]  }
0x57: {  	v0 =	vadd.f32 v46, v0  }
0x58: {  	v49 =	vld [tilespmem:$0x880]  }
0x59: {  	v0 =	vadd.f32 v47, v0  }
0x5a: {  	v50 =	vld [tilespmem:$0x900]  }
0x5b: {  	v0 =	vadd.f32 v48, v0  }
0x5c: {  	v51 =	vld [tilespmem:$0x980]  }
0x5d: {  	v0 =	vadd.f32 v49, v0  }
0x5e: {  	v4 =	vimm.s32 $0xFEDCBA98;
	v52 =	vld [tilespmem:$0xA00]  }
0x5f: {  	v54 =	vimm.s32 $0x76543210;
	v4 =	vunpack.c.l.s4.s8 v4;
	v0 =	vadd.f32 v50, v0  }
0x60: {  	v53 =	vld [tilespmem:$0xA80];
	v1 =	vunpack.c.l.s4.s8 v54  }
0x61: {  	v55 =	vunpack.c.0.s8.s32 v4;
	v0 =	vadd.f32 v51, v0  }
0x62: {  	v56 =	vimm.s32 $0xBA98FEDC;
	v1 =	vunpack.c.0.s8.s32 v1  }
0x63: {  	v57 =	vimm.s32 $0x32107654;
	v2 =	vand.u32 $0xF, v55;
	v0 =	vadd.f32 v52, v0  }
0x64: {  	v1 =	vcombine.low v2, v1;
	v2 =	vunpack.c.l.s4.s8 v56;
	v3 =	vunpack.c.l.s4.s8 v57  }
0x65: {  	v0 =	vadd.f32 v53, v0  }
0x66: {  	v2 =	vunpack.c.0.s8.s32 v2;
	v3 =	vunpack.c.0.s8.s32 v3  }
0x67: {  	v1 =	vperm.xlane v0, v1  }
0x68: {  	v59 =	vimm.s32 $0xDCFE98BA;
	v60 =	vimm.s32 $0x54761032;
	v58 =	vcombine.low v3, v2  }
0x69: {  	v2 =	vunpack.c.l.s4.s8 v59;
	v3 =	vunpack.c.l.s4.s8 v60;
	v0 =	vadd.f32 v1, v0  }
0x6a: {  	v62 =	vimm.s32 $0x67452301  }
0x6b: {  	v2 =	vunpack.c.0.s8.s32 v2;
	v3 =	vunpack.c.0.s8.s32 v3;
	v1 =	vperm.xlane v0, v58  }
0x6c: {  	v61 =	vimm.s32 $0xEFCDAB89;
	v63 =	vunpack.c.l.s4.s8 v62  }
0x6d: {  	v2 =	vcombine.low v3, v2;
	v0 =	vadd.f32 v1, v0;
	v1 =	vunpack.c.l.s4.s8 v61;
	_ =	sdelay $0x1  }
0x6e: {  	v3 =	vunpack.c.0.s8.s32 v63;
	v2 =	vperm.xlane v0, v2;
	v1 =	vunpack.c.0.s8.s32 v1;
	_ =	sdelay $0x1  }
0x6f: {  	v0 =	vadd.f32 v2, v0;
	v1 =	vcombine.low v3, v1;
	_ =	sdelay $0x1  }
0x70: {  	v1 =	vperm.xlane v0, v1;
	_ =	sdelay $0x1  }
0x71: {  	v0 =	vadd.f32 v1, v0;
	_ =	sdelay $0x1  }
0x72: {  	v0 =	vsub.f32 $0.0e+00, v0;
	_ =	sdelay $0x1  }
0x73: {  	s31 =	simm.s32 $0xB00;
	[tilespmem:$0xB00] =	vst v0  }
0x74: {  	[hbm4b:s1+s2] =	stream.linear.scatter [tilespmem:s31], [sflag:$0x5], $0x80, $0x38;
	[tilespmem:$0xB80] =	vst v63  }
0x75: {  	_ =	swait.ge [sflag:s3], $0x80  }
0x76: {  	[sflag:s3] =	ssyncset.done $0x0  }
0x77: {  	[sflag:s3] =	ssyncadd.s32 $0xFFFFFF80  }
0x78: {  	_ =	sfence.sel $0x180000  }
0x79: {  	[bflag:$0x0] =	sbarrier.arrive $0xFFFF  }
0x7a: {  	_ =	strace $0x90000047  }
0x7b: {  	s0 =	sadd.s32 $0x100000, s0;
	[bflag:$0x2] =	sbarrier.arrive $0xFFFF  }
0x7c: {  	[sflag:s0] =	ssyncadd.tile.s32 $0x1;
	_ =	shalt  }
.Lfunc_end2:
_tile_overlayer_lowered:
.L_overlay_start_2:
0x7d: {  	(tag) =	ssettag $0x2  }
0x7e: {  	s0 =	rddreg [dreg:$0x0];
	s2 =	stileid.u32  }
0x7f: {  	s1 =	rddreg [dreg:$0x1];
	p0 =	sne.s32 s2, $0x0  }
0x80: {  	s3 =	rddreg [dreg:$0x2];
	[bflag:$0x3] =	sbarrier.arrive $0xFFFF;
	s2 =	simm.s32 @!p0 $0x1C05  }
0x81: {  	[timem:s3], [sflag:s2] =	dma.local @!p0 [hbm:s0], s1  }
0x82: {  	s0 =	simm.s32 @!p0 $0x5  }
0x83: {  	_ =	swait.ge @!p0 [sflag:s0], s1  }
0x84: {  	s1 =	ssub.s32 @!p0 $0x0, s1;
	[sflag:s0] =	ssyncset.done @!p0 $0x0  }
0x85: {  	[sflag:s0] =	ssyncadd.s32 @!p0 s1  }
0x86: {  	[bflag:$0x3] =	sbarrier.arrive $0xFFFF  }
0x87: {  	_ =	shalt  }

</sc_bundles>
